<compile_context>
chip_gen: v7x
topology: tpu7x:2x2x1
jax: 0.10.2.dev20260603
libtpu: 0.0.44.dev20260713+nightly
codegen_flags: <defaults>
</compile_context>

<pallas_src>
import jax
import jax.numpy as jnp
from jax import lax
from jax.experimental import pallas as pl
from jax.experimental.pallas import tpu as pltpu
from jax.experimental.pallas import tpu_sc as plsc

_B = 16
_SEQ = 20
_N = 32
_NP = _N // 2
_H = 64
_W = 64
_BT = _B * _SEQ
_PTS = _BT * _NP

_NC = 2
_NS = 16
_NW = _NC * _NS
_IMGS_PER_TILE = _BT // _NW
_PPT = _IMGS_PER_TILE * _NP


def _sc_body(pk_hbm, idx_hbm, pkv, idxv):
    wid = lax.axis_index("s") * _NC + lax.axis_index("c")
    base = wid * _PPT

    pltpu.sync_copy(pk_hbm.at[pl.ds(wid * 6 * _PPT, 6 * _PPT)], pkv)

    for i in range(_IMGS_PER_TILE):
        s = i * _NP
        xs = pkv[pl.ds(0 * _PPT + s, 16)]
        ys = pkv[pl.ds(1 * _PPT + s, 16)]
        rx = pkv[pl.ds(2 * _PPT + s, 16)]
        ry = pkv[pl.ds(3 * _PPT + s, 16)]
        ox = pkv[pl.ds(4 * _PPT + s, 16)]
        oy = pkv[pl.ds(5 * _PPT + s, 16)]
        col = (xs / rx + ox).astype(jnp.int32)
        row = (ys / ry + oy).astype(jnp.int32)
        idxv[pl.ds(s, 16)] = row * _W + col

    pltpu.sync_copy(idxv, idx_hbm.at[pl.ds(base, _PPT)])


@jax.jit
def _sc_indices(packed):
    mesh = plsc.VectorSubcoreMesh(core_axis_name="c", subcore_axis_name="s")
    return pl.kernel(
        _sc_body,
        out_type=jax.ShapeDtypeStruct((_PTS,), jnp.int32),
        mesh=mesh,
        scratch_types=[
            pltpu.VMEM((6 * _PPT,), jnp.float32),
            pltpu.VMEM((_PPT,), jnp.int32),
        ],
    )(packed)


_BPB = 1
_NBLK = _B // _BPB


def _tc_body(idx_ref, out_ref):
    out_ref[...] = jnp.zeros((_BPB, _SEQ, _H, _NP, _W), jnp.float32)
    wio = lax.broadcasted_iota(jnp.int32, (1, 1, _W), 2)
    base = pl.program_id(0) * (_BPB * _SEQ * _NP)
    for bl in range(_BPB):
        for tl in range(_SEQ):
            for p in range(_NP):
                v = idx_ref[base + (bl * _SEQ + tl) * _NP + p]
                r = v // _W
                c = v - r * _W
                oh = jnp.where(wio == c, 1.0, 0.0).astype(jnp.float32)
                out_ref[bl, tl, pl.ds(r, 1), pl.ds(p, 1), :] = oh


@jax.jit
def _tc_raster(idx3):
    return pl.pallas_call(
        _tc_body,
        grid=(_NBLK,),
        in_specs=[pl.BlockSpec((_PTS,), lambda i: (0,),
                               memory_space=pltpu.SMEM)],
        out_specs=pl.BlockSpec((_BPB, _SEQ, _H, _NP, _W),
                               lambda i: (i, 0, 0, 0, 0)),
        out_shape=jax.ShapeDtypeStruct((_B, _SEQ, _H, _NP, _W), jnp.float32),
    )(idx3)


def kernel(x, resolution, origin):
    pts = x.reshape(_PTS, 2)
    xs = pts[:, 0]
    ys = pts[:, 1]
    rx = jnp.broadcast_to(resolution[:, :, None, 0], (_B, _SEQ, _NP)).reshape(-1)
    ry = jnp.broadcast_to(resolution[:, :, None, 1], (_B, _SEQ, _NP)).reshape(-1)
    ox = jnp.broadcast_to(origin[:, :, None, 0], (_B, _SEQ, _NP)).reshape(-1)
    oy = jnp.broadcast_to(origin[:, :, None, 1], (_B, _SEQ, _NP)).reshape(-1)
    packed = jnp.stack([xs, ys, rx, ry, ox, oy]).reshape(
        6, _NW, _PPT).transpose(1, 0, 2).reshape(-1)
    idx = _sc_indices(packed)
    out = _tc_raster(idx)
    return jnp.swapaxes(out, 3, 4)

# --- scband reference (transcript-rebuilt; emitter-appended) ---
"""Pipeline reference for scband-raster-points-40724879901150 (READ-ONLY COPY).

The authoritative reference and input builder live on the scoring server;
editing this copy changes nothing except your own understanding.
"""

import jax, jax.numpy as jnp
import numpy as np

B = 16
SEQ = 20
N = 32
N_POINTS = N // 2
H = 64
W = 64


def setup_inputs(seed: int = 0) -> dict:
    key = jax.random.key(seed)
    k1, k2 = jax.random.split(key)
    # rope configurations in [0,1) so the |x|<=1.5 validity check passes
    x = jax.random.uniform(k1, (B, SEQ, N), dtype=jnp.float32)
    # resolution of 1.0 so indices = floor(x + origin)
    resolution = jnp.ones((B, SEQ, 2), dtype=jnp.float32)
    # integer-valued origins in [0, 64) so all raster indices land in-grid
    origin = jax.random.randint(k2, (B, SEQ, 2), 0, 64).astype(jnp.float32)
    return {"x": x, "resolution": resolution, "origin": origin}


def reference(x, resolution, origin):
    # points reshape: [B, SEQ, N] -> [B, SEQ, N_POINTS, 2]
    points = x.reshape(-1, SEQ, N_POINTS, 2)
    # batch_resolution / batch_origin get a broadcast axis over points
    idx = (points / resolution[:, :, None, :] + origin[:, :, None, :]).astype(jnp.int64)
    rows = idx[..., 1]  # [B, SEQ, N_POINTS]
    cols = idx[..., 0]  # [B, SEQ, N_POINTS]
    b = jnp.arange(B, dtype=jnp.int64)[:, None, None]
    t = jnp.arange(SEQ, dtype=jnp.int64)[None, :, None]
    p = jnp.arange(N_POINTS, dtype=jnp.int64)[None, None, :]
    rope_images = jnp.zeros((B, SEQ, H, W, N_POINTS), dtype=jnp.float32)
    # scatter-overwrite of ones at (batch, time, row, col, point_channel)
    rope_images = rope_images.at[b, t, rows, cols, p].set(1.0)
    return rope_images

if __name__ == "__main__":
    import jax
    _d = setup_inputs()
    print(jax.jit(kernel)(*tuple(_d.values())))

</pallas_src>

<mosaic_0001>
#map = affine_map<(d0, d1) -> (0)>
module attributes {stable_mosaic.version = 14 : i64} {
  func.func @_sc_body(%arg0: i32, %arg1: i32, %arg2: memref<30720xf32, #tpu.memory_space<hbm>>, %arg3: memref<5120xi32, #tpu.memory_space<hbm>>, %arg4: memref<960xf32, #tpu.memory_space<vmem>>, %arg5: memref<160xi32, #tpu.memory_space<vmem>>) attributes {dimension_semantics = [#tpu.dimension_semantics<core_parallel>, #tpu.dimension_semantics<subcore_parallel>], iteration_bounds = array<i64: 2, 16>, scalar_prefetch = 0 : i64, scratch_operands = 2 : i64, tpu.core_type = #tpu.core_type<sc_vector_subcore>, window_params = [{transform_indices = #map}, {transform_indices = #map}]} {
    %mul3A = arith.constant 2 : i32
    %mul3A_0 = arith.muli %arg1, %mul3A : i32
    %add3A = arith.addi %mul3A_0, %arg0 : i32
    %mul3A_1 = arith.constant 160 : i32
    %mul3A_2 = arith.muli %add3A, %mul3A_1 : i32
    %mul3A_3 = arith.constant 6 : i32
    %mul3A_4 = arith.muli %add3A, %mul3A_3 : i32
    %mul3A_5 = arith.constant 160 : i32
    %mul3A_6 = arith.muli %mul3A_4, %mul3A_5 : i32
    "tpu.region"() ({
      %run_scoped3A = tpu.sem_alloc : memref<!tpu.dma_semaphore, #tpu.memory_space<semaphore_mem>>
      %dma_start3A = tpu.memref_slice %arg2[%mul3A_6] : memref<30720xf32, #tpu.memory_space<hbm>> -> memref<960xf32, #tpu.memory_space<hbm>>
      %dma_start3A_323 = tpu.memref_slice %arg2[%mul3A_6] : memref<30720xf32, #tpu.memory_space<hbm>> -> memref<960xf32, #tpu.memory_space<hbm>>
      tpu.enqueue_dma source(%dma_start3A_323 : memref<960xf32, #tpu.memory_space<hbm>>) target(%arg4 : memref<960xf32, #tpu.memory_space<vmem>>) target_semaphore(%run_scoped3A : memref<!tpu.dma_semaphore, #tpu.memory_space<semaphore_mem>>)
      %dma_wait3A = tpu.memref_slice %arg2[%mul3A_6] : memref<30720xf32, #tpu.memory_space<hbm>> -> memref<960xf32, #tpu.memory_space<hbm>>
      %dma_wait3A_324 = tpu.memref_slice %arg2[%mul3A_6] : memref<30720xf32, #tpu.memory_space<hbm>> -> memref<960xf32, #tpu.memory_space<hbm>>
      tpu.wait_dma2 semaphore(%run_scoped3A : memref<!tpu.dma_semaphore, #tpu.memory_space<semaphore_mem>>) src(%dma_wait3A_324 : memref<960xf32, #tpu.memory_space<hbm>>) dst(%arg4 : memref<960xf32, #tpu.memory_space<vmem>>)
      tpu.yield
    }) : () -> ()
    %get3A = arith.constant 0 : index
    %get3A_7 = tpu.vector_load %arg4[%get3A] {strides = array<i32>} : memref<960xf32, #tpu.memory_space<vmem>>, vector<16xf32>,
    %get3A_8 = vector.shape_cast %get3A_7 : vector<16xf32> to vector<16xf32>
    %get3A_9 = arith.constant 160 : index
    %get3A_10 = tpu.vector_load %arg4[%get3A_9] {strides = array<i32>} : memref<960xf32, #tpu.memory_space<vmem>>, vector<16xf32>,
    %get3A_11 = vector.shape_cast %get3A_10 : vector<16xf32> to vector<16xf32>
    %get3A_12 = arith.constant 320 : index
    %get3A_13 = tpu.vector_load %arg4[%get3A_12] {strides = array<i32>} : memref<960xf32, #tpu.memory_space<vmem>>, vector<16xf32>,
    %get3A_14 = vector.shape_cast %get3A_13 : vector<16xf32> to vector<16xf32>
    %get3A_15 = arith.constant 480 : index
    %get3A_16 = tpu.vector_load %arg4[%get3A_15] {strides = array<i32>} : memref<960xf32, #tpu.memory_space<vmem>>, vector<16xf32>,
    %get3A_17 = vector.shape_cast %get3A_16 : vector<16xf32> to vector<16xf32>
    %get3A_18 = arith.constant 640 : index
    %get3A_19 = tpu.vector_load %arg4[%get3A_18] {strides = array<i32>} : memref<960xf32, #tpu.memory_space<vmem>>, vector<16xf32>,
    %get3A_20 = vector.shape_cast %get3A_19 : vector<16xf32> to vector<16xf32>
    %get3A_21 = arith.constant 800 : index
    %get3A_22 = tpu.vector_load %arg4[%get3A_21] {strides = array<i32>} : memref<960xf32, #tpu.memory_space<vmem>>, vector<16xf32>,
    %get3A_23 = vector.shape_cast %get3A_22 : vector<16xf32> to vector<16xf32>
    %div3A = arith.divf %get3A_8, %get3A_14 : vector<16xf32>
    %add3A_24 = arith.addf %div3A, %get3A_20 : vector<16xf32>
    %convert_element_type3A = arith.fptosi %add3A_24 : vector<16xf32> to vector<16xi32>
    %div3A_25 = arith.divf %get3A_11, %get3A_17 : vector<16xf32>
    %add3A_26 = arith.addf %div3A_25, %get3A_23 : vector<16xf32>
    %convert_element_type3A_27 = arith.fptosi %add3A_26 : vector<16xf32> to vector<16xi32>
    %mul3A_28 = arith.constant 64 : i32
    %mul3A_29 = vector.broadcast %mul3A_28 : i32 to vector<16xi32>
    %mul3A_30 = arith.muli %convert_element_type3A_27, %mul3A_29 : vector<16xi32>
    %add3A_31 = arith.addi %mul3A_30, %convert_element_type3A : vector<16xi32>
    %swap3A = arith.constant 0 : index
    %swap3A_32 = tpu.vector_load %arg5[%swap3A] {strides = array<i32>} : memref<160xi32, #tpu.memory_space<vmem>>, vector<16xi32>,
    %swap3A_33 = vector.shape_cast %swap3A_32 : vector<16xi32> to vector<16xi32>
    %swap3A_34 = vector.shape_cast %add3A_31 : vector<16xi32> to vector<16xi32>
    tpu.vector_store %arg5[%swap3A], %swap3A_34 {strides = array<i32>} : memref<160xi32, #tpu.memory_space<vmem>>, vector<16xi32>,
    %get3A_35 = arith.constant 16 : index
    %get3A_36 = tpu.vector_load %arg4[%get3A_35] {strides = array<i32>} : memref<960xf32, #tpu.memory_space<vmem>>, vector<16xf32>,
    %get3A_37 = vector.shape_cast %get3A_36 : vector<16xf32> to vector<16xf32>
    %get3A_38 = arith.constant 176 : index
    %get3A_39 = tpu.vector_load %arg4[%get3A_38] {strides = array<i32>} : memref<960xf32, #tpu.memory_space<vmem>>, vector<16xf32>,
    %get3A_40 = vector.shape_cast %get3A_39 : vector<16xf32> to vector<16xf32>
    %get3A_41 = arith.constant 336 : index
    %get3A_42 = tpu.vector_load %arg4[%get3A_41] {strides = array<i32>} : memref<960xf32, #tpu.memory_space<vmem>>, vector<16xf32>,
    %get3A_43 = vector.shape_cast %get3A_42 : vector<16xf32> to vector<16xf32>
    %get3A_44 = arith.constant 496 : index
    %get3A_45 = tpu.vector_load %arg4[%get3A_44] {strides = array<i32>} : memref<960xf32, #tpu.memory_space<vmem>>, vector<16xf32>,
    %get3A_46 = vector.shape_cast %get3A_45 : vector<16xf32> to vector<16xf32>
    %get3A_47 = arith.constant 656 : index
    %get3A_48 = tpu.vector_load %arg4[%get3A_47] {strides = array<i32>} : memref<960xf32, #tpu.memory_space<vmem>>, vector<16xf32>,
    %get3A_49 = vector.shape_cast %get3A_48 : vector<16xf32> to vector<16xf32>
    %get3A_50 = arith.constant 816 : index
    %get3A_51 = tpu.vector_load %arg4[%get3A_50] {strides = array<i32>} : memref<960xf32, #tpu.memory_space<vmem>>, vector<16xf32>,
    %get3A_52 = vector.shape_cast %get3A_51 : vector<16xf32> to vector<16xf32>
    %div3A_53 = arith.divf %get3A_37, %get3A_43 : vector<16xf32>
    %add3A_54 = arith.addf %div3A_53, %get3A_49 : vector<16xf32>
    %convert_element_type3A_55 = arith.fptosi %add3A_54 : vector<16xf32> to vector<16xi32>
    %div3A_56 = arith.divf %get3A_40, %get3A_46 : vector<16xf32>
    %add3A_57 = arith.addf %div3A_56, %get3A_52 : vector<16xf32>
    %convert_element_type3A_58 = arith.fptosi %add3A_57 : vector<16xf32> to vector<16xi32>
    %mul3A_59 = arith.constant 64 : i32
    %mul3A_60 = vector.broadcast %mul3A_59 : i32 to vector<16xi32>
    %mul3A_61 = arith.muli %convert_element_type3A_58, %mul3A_60 : vector<16xi32>
    %add3A_62 = arith.addi %mul3A_61, %convert_element_type3A_55 : vector<16xi32>
    %swap3A_63 = arith.constant 16 : index
    %swap3A_64 = tpu.vector_load %arg5[%swap3A_63] {strides = array<i32>} : memref<160xi32, #tpu.memory_space<vmem>>, vector<16xi32>,
    %swap3A_65 = vector.shape_cast %swap3A_64 : vector<16xi32> to vector<16xi32>
    %swap3A_66 = vector.shape_cast %add3A_62 : vector<16xi32> to vector<16xi32>
    tpu.vector_store %arg5[%swap3A_63], %swap3A_66 {strides = array<i32>} : memref<160xi32, #tpu.memory_space<vmem>>, vector<16xi32>,
    %get3A_67 = arith.constant 32 : index
    %get3A_68 = tpu.vector_load %arg4[%get3A_67] {strides = array<i32>} : memref<960xf32, #tpu.memory_space<vmem>>, vector<16xf32>,
    %get3A_69 = vector.shape_cast %get3A_68 : vector<16xf32> to vector<16xf32>
    %get3A_70 = arith.constant 192 : index
    %get3A_71 = tpu.vector_load %arg4[%get3A_70] {strides = array<i32>} : memref<960xf32, #tpu.memory_space<vmem>>, vector<16xf32>,
    %get3A_72 = vector.shape_cast %get3A_71 : vector<16xf32> to vector<16xf32>
    %get3A_73 = arith.constant 352 : index
    %get3A_74 = tpu.vector_load %arg4[%get3A_73] {strides = array<i32>} : memref<960xf32, #tpu.memory_space<vmem>>, vector<16xf32>,
    %get3A_75 = vector.shape_cast %get3A_74 : vector<16xf32> to vector<16xf32>
    %get3A_76 = arith.constant 512 : index
    %get3A_77 = tpu.vector_load %arg4[%get3A_76] {strides = array<i32>} : memref<960xf32, #tpu.memory_space<vmem>>, vector<16xf32>,
    %get3A_78 = vector.shape_cast %get3A_77 : vector<16xf32> to vector<16xf32>
    %get3A_79 = arith.constant 672 : index
    %get3A_80 = tpu.vector_load %arg4[%get3A_79] {strides = array<i32>} : memref<960xf32, #tpu.memory_space<vmem>>, vector<16xf32>,
    %get3A_81 = vector.shape_cast %get3A_80 : vector<16xf32> to vector<16xf32>
    %get3A_82 = arith.constant 832 : index
    %get3A_83 = tpu.vector_load %arg4[%get3A_82] {strides = array<i32>} : memref<960xf32, #tpu.memory_space<vmem>>, vector<16xf32>,
    %get3A_84 = vector.shape_cast %get3A_83 : vector<16xf32> to vector<16xf32>
    %div3A_85 = arith.divf %get3A_69, %get3A_75 : vector<16xf32>
    %add3A_86 = arith.addf %div3A_85, %get3A_81 : vector<16xf32>
    %convert_element_type3A_87 = arith.fptosi %add3A_86 : vector<16xf32> to vector<16xi32>
    %div3A_88 = arith.divf %get3A_72, %get3A_78 : vector<16xf32>
    %add3A_89 = arith.addf %div3A_88, %get3A_84 : vector<16xf32>
    %convert_element_type3A_90 = arith.fptosi %add3A_89 : vector<16xf32> to vector<16xi32>
    %mul3A_91 = arith.constant 64 : i32
    %mul3A_92 = vector.broadcast %mul3A_91 : i32 to vector<16xi32>
    %mul3A_93 = arith.muli %convert_element_type3A_90, %mul3A_92 : vector<16xi32>
    %add3A_94 = arith.addi %mul3A_93, %convert_element_type3A_87 : vector<16xi32>
    %swap3A_95 = arith.constant 32 : index
    %swap3A_96 = tpu.vector_load %arg5[%swap3A_95] {strides = array<i32>} : memref<160xi32, #tpu.memory_space<vmem>>, vector<16xi32>,
    %swap3A_97 = vector.shape_cast %swap3A_96 : vector<16xi32> to vector<16xi32>
    %swap3A_98 = vector.shape_cast %add3A_94 : vector<16xi32> to vector<16xi32>
    tpu.vector_store %arg5[%swap3A_95], %swap3A_98 {strides = array<i32>} : memref<160xi32, #tpu.memory_space<vmem>>, vector<16xi32>,
    %get3A_99 = arith.constant 48 : index
    %get3A_100 = tpu.vector_load %arg4[%get3A_99] {strides = array<i32>} : memref<960xf32, #tpu.memory_space<vmem>>, vector<16xf32>,
    %get3A_101 = vector.shape_cast %get3A_100 : vector<16xf32> to vector<16xf32>
    %get3A_102 = arith.constant 208 : index
    %get3A_103 = tpu.vector_load %arg4[%get3A_102] {strides = array<i32>} : memref<960xf32, #tpu.memory_space<vmem>>, vector<16xf32>,
    %get3A_104 = vector.shape_cast %get3A_103 : vector<16xf32> to vector<16xf32>
    %get3A_105 = arith.constant 368 : index
    %get3A_106 = tpu.vector_load %arg4[%get3A_105] {strides = array<i32>} : memref<960xf32, #tpu.memory_space<vmem>>, vector<16xf32>,
    %get3A_107 = vector.shape_cast %get3A_106 : vector<16xf32> to vector<16xf32>
    %get3A_108 = arith.constant 528 : index
    %get3A_109 = tpu.vector_load %arg4[%get3A_108] {strides = array<i32>} : memref<960xf32, #tpu.memory_space<vmem>>, vector<16xf32>,
    %get3A_110 = vector.shape_cast %get3A_109 : vector<16xf32> to vector<16xf32>
    %get3A_111 = arith.constant 688 : index
    %get3A_112 = tpu.vector_load %arg4[%get3A_111] {strides = array<i32>} : memref<960xf32, #tpu.memory_space<vmem>>, vector<16xf32>,
    %get3A_113 = vector.shape_cast %get3A_112 : vector<16xf32> to vector<16xf32>
    %get3A_114 = arith.constant 848 : index
    %get3A_115 = tpu.vector_load %arg4[%get3A_114] {strides = array<i32>} : memref<960xf32, #tpu.memory_space<vmem>>, vector<16xf32>,
    %get3A_116 = vector.shape_cast %get3A_115 : vector<16xf32> to vector<16xf32>
    %div3A_117 = arith.divf %get3A_101, %get3A_107 : vector<16xf32>
    %add3A_118 = arith.addf %div3A_117, %get3A_113 : vector<16xf32>
    %convert_element_type3A_119 = arith.fptosi %add3A_118 : vector<16xf32> to vector<16xi32>
    %div3A_120 = arith.divf %get3A_104, %get3A_110 : vector<16xf32>
    %add3A_121 = arith.addf %div3A_120, %get3A_116 : vector<16xf32>
    %convert_element_type3A_122 = arith.fptosi %add3A_121 : vector<16xf32> to vector<16xi32>
    %mul3A_123 = arith.constant 64 : i32
    %mul3A_124 = vector.broadcast %mul3A_123 : i32 to vector<16xi32>
    %mul3A_125 = arith.muli %convert_element_type3A_122, %mul3A_124 : vector<16xi32>
    %add3A_126 = arith.addi %mul3A_125, %convert_element_type3A_119 : vector<16xi32>
    %swap3A_127 = arith.constant 48 : index
    %swap3A_128 = tpu.vector_load %arg5[%swap3A_127] {strides = array<i32>} : memref<160xi32, #tpu.memory_space<vmem>>, vector<16xi32>,
    %swap3A_129 = vector.shape_cast %swap3A_128 : vector<16xi32> to vector<16xi32>
    %swap3A_130 = vector.shape_cast %add3A_126 : vector<16xi32> to vector<16xi32>
    tpu.vector_store %arg5[%swap3A_127], %swap3A_130 {strides = array<i32>} : memref<160xi32, #tpu.memory_space<vmem>>, vector<16xi32>,
    %get3A_131 = arith.constant 64 : index
    %get3A_132 = tpu.vector_load %arg4[%get3A_131] {strides = array<i32>} : memref<960xf32, #tpu.memory_space<vmem>>, vector<16xf32>,
    %get3A_133 = vector.shape_cast %get3A_132 : vector<16xf32> to vector<16xf32>
    %get3A_134 = arith.constant 224 : index
    %get3A_135 = tpu.vector_load %arg4[%get3A_134] {strides = array<i32>} : memref<960xf32, #tpu.memory_space<vmem>>, vector<16xf32>,
    %get3A_136 = vector.shape_cast %get3A_135 : vector<16xf32> to vector<16xf32>
    %get3A_137 = arith.constant 384 : index
    %get3A_138 = tpu.vector_load %arg4[%get3A_137] {strides = array<i32>} : memref<960xf32, #tpu.memory_space<vmem>>, vector<16xf32>,
    %get3A_139 = vector.shape_cast %get3A_138 : vector<16xf32> to vector<16xf32>
    %get3A_140 = arith.constant 544 : index
    %get3A_141 = tpu.vector_load %arg4[%get3A_140] {strides = array<i32>} : memref<960xf32, #tpu.memory_space<vmem>>, vector<16xf32>,
    %get3A_142 = vector.shape_cast %get3A_141 : vector<16xf32> to vector<16xf32>
    %get3A_143 = arith.constant 704 : index
    %get3A_144 = tpu.vector_load %arg4[%get3A_143] {strides = array<i32>} : memref<960xf32, #tpu.memory_space<vmem>>, vector<16xf32>,
    %get3A_145 = vector.shape_cast %get3A_144 : vector<16xf32> to vector<16xf32>
    %get3A_146 = arith.constant 864 : index
    %get3A_147 = tpu.vector_load %arg4[%get3A_146] {strides = array<i32>} : memref<960xf32, #tpu.memory_space<vmem>>, vector<16xf32>,
    %get3A_148 = vector.shape_cast %get3A_147 : vector<16xf32> to vector<16xf32>
    %div3A_149 = arith.divf %get3A_133, %get3A_139 : vector<16xf32>
    %add3A_150 = arith.addf %div3A_149, %get3A_145 : vector<16xf32>
    %convert_element_type3A_151 = arith.fptosi %add3A_150 : vector<16xf32> to vector<16xi32>
    %div3A_152 = arith.divf %get3A_136, %get3A_142 : vector<16xf32>
    %add3A_153 = arith.addf %div3A_152, %get3A_148 : vector<16xf32>
    %convert_element_type3A_154 = arith.fptosi %add3A_153 : vector<16xf32> to vector<16xi32>
    %mul3A_155 = arith.constant 64 : i32
    %mul3A_156 = vector.broadcast %mul3A_155 : i32 to vector<16xi32>
    %mul3A_157 = arith.muli %convert_element_type3A_154, %mul3A_156 : vector<16xi32>
    %add3A_158 = arith.addi %mul3A_157, %convert_element_type3A_151 : vector<16xi32>
    %swap3A_159 = arith.constant 64 : index
    %swap3A_160 = tpu.vector_load %arg5[%swap3A_159] {strides = array<i32>} : memref<160xi32, #tpu.memory_space<vmem>>, vector<16xi32>,
    %swap3A_161 = vector.shape_cast %swap3A_160 : vector<16xi32> to vector<16xi32>
    %swap3A_162 = vector.shape_cast %add3A_158 : vector<16xi32> to vector<16xi32>
    tpu.vector_store %arg5[%swap3A_159], %swap3A_162 {strides = array<i32>} : memref<160xi32, #tpu.memory_space<vmem>>, vector<16xi32>,
    %get3A_163 = arith.constant 80 : index
    %get3A_164 = tpu.vector_load %arg4[%get3A_163] {strides = array<i32>} : memref<960xf32, #tpu.memory_space<vmem>>, vector<16xf32>,
    %get3A_165 = vector.shape_cast %get3A_164 : vector<16xf32> to vector<16xf32>
    %get3A_166 = arith.constant 240 : index
    %get3A_167 = tpu.vector_load %arg4[%get3A_166] {strides = array<i32>} : memref<960xf32, #tpu.memory_space<vmem>>, vector<16xf32>,
    %get3A_168 = vector.shape_cast %get3A_167 : vector<16xf32> to vector<16xf32>
    %get3A_169 = arith.constant 400 : index
    %get3A_170 = tpu.vector_load %arg4[%get3A_169] {strides = array<i32>} : memref<960xf32, #tpu.memory_space<vmem>>, vector<16xf32>,
    %get3A_171 = vector.shape_cast %get3A_170 : vector<16xf32> to vector<16xf32>
    %get3A_172 = arith.constant 560 : index
    %get3A_173 = tpu.vector_load %arg4[%get3A_172] {strides = array<i32>} : memref<960xf32, #tpu.memory_space<vmem>>, vector<16xf32>,
    %get3A_174 = vector.shape_cast %get3A_173 : vector<16xf32> to vector<16xf32>
    %get3A_175 = arith.constant 720 : index
    %get3A_176 = tpu.vector_load %arg4[%get3A_175] {strides = array<i32>} : memref<960xf32, #tpu.memory_space<vmem>>, vector<16xf32>,
    %get3A_177 = vector.shape_cast %get3A_176 : vector<16xf32> to vector<16xf32>
    %get3A_178 = arith.constant 880 : index
    %get3A_179 = tpu.vector_load %arg4[%get3A_178] {strides = array<i32>} : memref<960xf32, #tpu.memory_space<vmem>>, vector<16xf32>,
    %get3A_180 = vector.shape_cast %get3A_179 : vector<16xf32> to vector<16xf32>
    %div3A_181 = arith.divf %get3A_165, %get3A_171 : vector<16xf32>
    %add3A_182 = arith.addf %div3A_181, %get3A_177 : vector<16xf32>
    %convert_element_type3A_183 = arith.fptosi %add3A_182 : vector<16xf32> to vector<16xi32>
    %div3A_184 = arith.divf %get3A_168, %get3A_174 : vector<16xf32>
    %add3A_185 = arith.addf %div3A_184, %get3A_180 : vector<16xf32>
    %convert_element_type3A_186 = arith.fptosi %add3A_185 : vector<16xf32> to vector<16xi32>
    %mul3A_187 = arith.constant 64 : i32
    %mul3A_188 = vector.broadcast %mul3A_187 : i32 to vector<16xi32>
    %mul3A_189 = arith.muli %convert_element_type3A_186, %mul3A_188 : vector<16xi32>
    %add3A_190 = arith.addi %mul3A_189, %convert_element_type3A_183 : vector<16xi32>
    %swap3A_191 = arith.constant 80 : index
    %swap3A_192 = tpu.vector_load %arg5[%swap3A_191] {strides = array<i32>} : memref<160xi32, #tpu.memory_space<vmem>>, vector<16xi32>,
    %swap3A_193 = vector.shape_cast %swap3A_192 : vector<16xi32> to vector<16xi32>
    %swap3A_194 = vector.shape_cast %add3A_190 : vector<16xi32> to vector<16xi32>
    tpu.vector_store %arg5[%swap3A_191], %swap3A_194 {strides = array<i32>} : memref<160xi32, #tpu.memory_space<vmem>>, vector<16xi32>,
    %get3A_195 = arith.constant 96 : index
    %get3A_196 = tpu.vector_load %arg4[%get3A_195] {strides = array<i32>} : memref<960xf32, #tpu.memory_space<vmem>>, vector<16xf32>,
    %get3A_197 = vector.shape_cast %get3A_196 : vector<16xf32> to vector<16xf32>
    %get3A_198 = arith.constant 256 : index
    %get3A_199 = tpu.vector_load %arg4[%get3A_198] {strides = array<i32>} : memref<960xf32, #tpu.memory_space<vmem>>, vector<16xf32>,
    %get3A_200 = vector.shape_cast %get3A_199 : vector<16xf32> to vector<16xf32>
    %get3A_201 = arith.constant 416 : index
    %get3A_202 = tpu.vector_load %arg4[%get3A_201] {strides = array<i32>} : memref<960xf32, #tpu.memory_space<vmem>>, vector<16xf32>,
    %get3A_203 = vector.shape_cast %get3A_202 : vector<16xf32> to vector<16xf32>
    %get3A_204 = arith.constant 576 : index
    %get3A_205 = tpu.vector_load %arg4[%get3A_204] {strides = array<i32>} : memref<960xf32, #tpu.memory_space<vmem>>, vector<16xf32>,
    %get3A_206 = vector.shape_cast %get3A_205 : vector<16xf32> to vector<16xf32>
    %get3A_207 = arith.constant 736 : index
    %get3A_208 = tpu.vector_load %arg4[%get3A_207] {strides = array<i32>} : memref<960xf32, #tpu.memory_space<vmem>>, vector<16xf32>,
    %get3A_209 = vector.shape_cast %get3A_208 : vector<16xf32> to vector<16xf32>
    %get3A_210 = arith.constant 896 : index
    %get3A_211 = tpu.vector_load %arg4[%get3A_210] {strides = array<i32>} : memref<960xf32, #tpu.memory_space<vmem>>, vector<16xf32>,
    %get3A_212 = vector.shape_cast %get3A_211 : vector<16xf32> to vector<16xf32>
    %div3A_213 = arith.divf %get3A_197, %get3A_203 : vector<16xf32>
    %add3A_214 = arith.addf %div3A_213, %get3A_209 : vector<16xf32>
    %convert_element_type3A_215 = arith.fptosi %add3A_214 : vector<16xf32> to vector<16xi32>
    %div3A_216 = arith.divf %get3A_200, %get3A_206 : vector<16xf32>
    %add3A_217 = arith.addf %div3A_216, %get3A_212 : vector<16xf32>
    %convert_element_type3A_218 = arith.fptosi %add3A_217 : vector<16xf32> to vector<16xi32>
    %mul3A_219 = arith.constant 64 : i32
    %mul3A_220 = vector.broadcast %mul3A_219 : i32 to vector<16xi32>
    %mul3A_221 = arith.muli %convert_element_type3A_218, %mul3A_220 : vector<16xi32>
    %add3A_222 = arith.addi %mul3A_221, %convert_element_type3A_215 : vector<16xi32>
    %swap3A_223 = arith.constant 96 : index
    %swap3A_224 = tpu.vector_load %arg5[%swap3A_223] {strides = array<i32>} : memref<160xi32, #tpu.memory_space<vmem>>, vector<16xi32>,
    %swap3A_225 = vector.shape_cast %swap3A_224 : vector<16xi32> to vector<16xi32>
    %swap3A_226 = vector.shape_cast %add3A_222 : vector<16xi32> to vector<16xi32>
    tpu.vector_store %arg5[%swap3A_223], %swap3A_226 {strides = array<i32>} : memref<160xi32, #tpu.memory_space<vmem>>, vector<16xi32>,
    %get3A_227 = arith.constant 112 : index
    %get3A_228 = tpu.vector_load %arg4[%get3A_227] {strides = array<i32>} : memref<960xf32, #tpu.memory_space<vmem>>, vector<16xf32>,
    %get3A_229 = vector.shape_cast %get3A_228 : vector<16xf32> to vector<16xf32>
    %get3A_230 = arith.constant 272 : index
    %get3A_231 = tpu.vector_load %arg4[%get3A_230] {strides = array<i32>} : memref<960xf32, #tpu.memory_space<vmem>>, vector<16xf32>,
    %get3A_232 = vector.shape_cast %get3A_231 : vector<16xf32> to vector<16xf32>
    %get3A_233 = arith.constant 432 : index
    %get3A_234 = tpu.vector_load %arg4[%get3A_233] {strides = array<i32>} : memref<960xf32, #tpu.memory_space<vmem>>, vector<16xf32>,
    %get3A_235 = vector.shape_cast %get3A_234 : vector<16xf32> to vector<16xf32>
    %get3A_236 = arith.constant 592 : index
    %get3A_237 = tpu.vector_load %arg4[%get3A_236] {strides = array<i32>} : memref<960xf32, #tpu.memory_space<vmem>>, vector<16xf32>,
    %get3A_238 = vector.shape_cast %get3A_237 : vector<16xf32> to vector<16xf32>
    %get3A_239 = arith.constant 752 : index
    %get3A_240 = tpu.vector_load %arg4[%get3A_239] {strides = array<i32>} : memref<960xf32, #tpu.memory_space<vmem>>, vector<16xf32>,
    %get3A_241 = vector.shape_cast %get3A_240 : vector<16xf32> to vector<16xf32>
    %get3A_242 = arith.constant 912 : index
    %get3A_243 = tpu.vector_load %arg4[%get3A_242] {strides = array<i32>} : memref<960xf32, #tpu.memory_space<vmem>>, vector<16xf32>,
    %get3A_244 = vector.shape_cast %get3A_243 : vector<16xf32> to vector<16xf32>
    %div3A_245 = arith.divf %get3A_229, %get3A_235 : vector<16xf32>
    %add3A_246 = arith.addf %div3A_245, %get3A_241 : vector<16xf32>
    %convert_element_type3A_247 = arith.fptosi %add3A_246 : vector<16xf32> to vector<16xi32>
    %div3A_248 = arith.divf %get3A_232, %get3A_238 : vector<16xf32>
    %add3A_249 = arith.addf %div3A_248, %get3A_244 : vector<16xf32>
    %convert_element_type3A_250 = arith.fptosi %add3A_249 : vector<16xf32> to vector<16xi32>
    %mul3A_251 = arith.constant 64 : i32
    %mul3A_252 = vector.broadcast %mul3A_251 : i32 to vector<16xi32>
    %mul3A_253 = arith.muli %convert_element_type3A_250, %mul3A_252 : vector<16xi32>
    %add3A_254 = arith.addi %mul3A_253, %convert_element_type3A_247 : vector<16xi32>
    %swap3A_255 = arith.constant 112 : index
    %swap3A_256 = tpu.vector_load %arg5[%swap3A_255] {strides = array<i32>} : memref<160xi32, #tpu.memory_space<vmem>>, vector<16xi32>,
    %swap3A_257 = vector.shape_cast %swap3A_256 : vector<16xi32> to vector<16xi32>
    %swap3A_258 = vector.shape_cast %add3A_254 : vector<16xi32> to vector<16xi32>
    tpu.vector_store %arg5[%swap3A_255], %swap3A_258 {strides = array<i32>} : memref<160xi32, #tpu.memory_space<vmem>>, vector<16xi32>,
    %get3A_259 = arith.constant 128 : index
    %get3A_260 = tpu.vector_load %arg4[%get3A_259] {strides = array<i32>} : memref<960xf32, #tpu.memory_space<vmem>>, vector<16xf32>,
    %get3A_261 = vector.shape_cast %get3A_260 : vector<16xf32> to vector<16xf32>
    %get3A_262 = arith.constant 288 : index
    %get3A_263 = tpu.vector_load %arg4[%get3A_262] {strides = array<i32>} : memref<960xf32, #tpu.memory_space<vmem>>, vector<16xf32>,
    %get3A_264 = vector.shape_cast %get3A_263 : vector<16xf32> to vector<16xf32>
    %get3A_265 = arith.constant 448 : index
    %get3A_266 = tpu.vector_load %arg4[%get3A_265] {strides = array<i32>} : memref<960xf32, #tpu.memory_space<vmem>>, vector<16xf32>,
    %get3A_267 = vector.shape_cast %get3A_266 : vector<16xf32> to vector<16xf32>
    %get3A_268 = arith.constant 608 : index
    %get3A_269 = tpu.vector_load %arg4[%get3A_268] {strides = array<i32>} : memref<960xf32, #tpu.memory_space<vmem>>, vector<16xf32>,
    %get3A_270 = vector.shape_cast %get3A_269 : vector<16xf32> to vector<16xf32>
    %get3A_271 = arith.constant 768 : index
    %get3A_272 = tpu.vector_load %arg4[%get3A_271] {strides = array<i32>} : memref<960xf32, #tpu.memory_space<vmem>>, vector<16xf32>,
    %get3A_273 = vector.shape_cast %get3A_272 : vector<16xf32> to vector<16xf32>
    %get3A_274 = arith.constant 928 : index
    %get3A_275 = tpu.vector_load %arg4[%get3A_274] {strides = array<i32>} : memref<960xf32, #tpu.memory_space<vmem>>, vector<16xf32>,
    %get3A_276 = vector.shape_cast %get3A_275 : vector<16xf32> to vector<16xf32>
    %div3A_277 = arith.divf %get3A_261, %get3A_267 : vector<16xf32>
    %add3A_278 = arith.addf %div3A_277, %get3A_273 : vector<16xf32>
    %convert_element_type3A_279 = arith.fptosi %add3A_278 : vector<16xf32> to vector<16xi32>
    %div3A_280 = arith.divf %get3A_264, %get3A_270 : vector<16xf32>
    %add3A_281 = arith.addf %div3A_280, %get3A_276 : vector<16xf32>
    %convert_element_type3A_282 = arith.fptosi %add3A_281 : vector<16xf32> to vector<16xi32>
    %mul3A_283 = arith.constant 64 : i32
    %mul3A_284 = vector.broadcast %mul3A_283 : i32 to vector<16xi32>
    %mul3A_285 = arith.muli %convert_element_type3A_282, %mul3A_284 : vector<16xi32>
    %add3A_286 = arith.addi %mul3A_285, %convert_element_type3A_279 : vector<16xi32>
    %swap3A_287 = arith.constant 128 : index
    %swap3A_288 = tpu.vector_load %arg5[%swap3A_287] {strides = array<i32>} : memref<160xi32, #tpu.memory_space<vmem>>, vector<16xi32>,
    %swap3A_289 = vector.shape_cast %swap3A_288 : vector<16xi32> to vector<16xi32>
    %swap3A_290 = vector.shape_cast %add3A_286 : vector<16xi32> to vector<16xi32>
    tpu.vector_store %arg5[%swap3A_287], %swap3A_290 {strides = array<i32>} : memref<160xi32, #tpu.memory_space<vmem>>, vector<16xi32>,
    %get3A_291 = arith.constant 144 : index
    %get3A_292 = tpu.vector_load %arg4[%get3A_291] {strides = array<i32>} : memref<960xf32, #tpu.memory_space<vmem>>, vector<16xf32>,
    %get3A_293 = vector.shape_cast %get3A_292 : vector<16xf32> to vector<16xf32>
    %get3A_294 = arith.constant 304 : index
    %get3A_295 = tpu.vector_load %arg4[%get3A_294] {strides = array<i32>} : memref<960xf32, #tpu.memory_space<vmem>>, vector<16xf32>,
    %get3A_296 = vector.shape_cast %get3A_295 : vector<16xf32> to vector<16xf32>
    %get3A_297 = arith.constant 464 : index
    %get3A_298 = tpu.vector_load %arg4[%get3A_297] {strides = array<i32>} : memref<960xf32, #tpu.memory_space<vmem>>, vector<16xf32>,
    %get3A_299 = vector.shape_cast %get3A_298 : vector<16xf32> to vector<16xf32>
    %get3A_300 = arith.constant 624 : index
    %get3A_301 = tpu.vector_load %arg4[%get3A_300] {strides = array<i32>} : memref<960xf32, #tpu.memory_space<vmem>>, vector<16xf32>,
    %get3A_302 = vector.shape_cast %get3A_301 : vector<16xf32> to vector<16xf32>
    %get3A_303 = arith.constant 784 : index
    %get3A_304 = tpu.vector_load %arg4[%get3A_303] {strides = array<i32>} : memref<960xf32, #tpu.memory_space<vmem>>, vector<16xf32>,
    %get3A_305 = vector.shape_cast %get3A_304 : vector<16xf32> to vector<16xf32>
    %get3A_306 = arith.constant 944 : index
    %get3A_307 = tpu.vector_load %arg4[%get3A_306] {strides = array<i32>} : memref<960xf32, #tpu.memory_space<vmem>>, vector<16xf32>,
    %get3A_308 = vector.shape_cast %get3A_307 : vector<16xf32> to vector<16xf32>
    %div3A_309 = arith.divf %get3A_293, %get3A_299 : vector<16xf32>
    %add3A_310 = arith.addf %div3A_309, %get3A_305 : vector<16xf32>
    %convert_element_type3A_311 = arith.fptosi %add3A_310 : vector<16xf32> to vector<16xi32>
    %div3A_312 = arith.divf %get3A_296, %get3A_302 : vector<16xf32>
    %add3A_313 = arith.addf %div3A_312, %get3A_308 : vector<16xf32>
    %convert_element_type3A_314 = arith.fptosi %add3A_313 : vector<16xf32> to vector<16xi32>
    %mul3A_315 = arith.constant 64 : i32
    %mul3A_316 = vector.broadcast %mul3A_315 : i32 to vector<16xi32>
    %mul3A_317 = arith.muli %convert_element_type3A_314, %mul3A_316 : vector<16xi32>
    %add3A_318 = arith.addi %mul3A_317, %convert_element_type3A_311 : vector<16xi32>
    %swap3A_319 = arith.constant 144 : index
    %swap3A_320 = tpu.vector_load %arg5[%swap3A_319] {strides = array<i32>} : memref<160xi32, #tpu.memory_space<vmem>>, vector<16xi32>,
    %swap3A_321 = vector.shape_cast %swap3A_320 : vector<16xi32> to vector<16xi32>
    %swap3A_322 = vector.shape_cast %add3A_318 : vector<16xi32> to vector<16xi32>
    tpu.vector_store %arg5[%swap3A_319], %swap3A_322 {strides = array<i32>} : memref<160xi32, #tpu.memory_space<vmem>>, vector<16xi32>,
    "tpu.region"() ({
      %run_scoped3A = tpu.sem_alloc : memref<!tpu.dma_semaphore, #tpu.memory_space<semaphore_mem>>
      %dma_start3A = tpu.memref_slice %arg3[%mul3A_2] : memref<5120xi32, #tpu.memory_space<hbm>> -> memref<160xi32, #tpu.memory_space<hbm>>
      %dma_start3A_323 = tpu.memref_slice %arg3[%mul3A_2] : memref<5120xi32, #tpu.memory_space<hbm>> -> memref<160xi32, #tpu.memory_space<hbm>>
      tpu.enqueue_dma source(%arg5 : memref<160xi32, #tpu.memory_space<vmem>>) target(%dma_start3A_323 : memref<160xi32, #tpu.memory_space<hbm>>) target_semaphore(%run_scoped3A : memref<!tpu.dma_semaphore, #tpu.memory_space<semaphore_mem>>)
      %dma_wait3A = tpu.memref_slice %arg3[%mul3A_2] : memref<5120xi32, #tpu.memory_space<hbm>> -> memref<160xi32, #tpu.memory_space<hbm>>
      %dma_wait3A_324 = tpu.memref_slice %arg3[%mul3A_2] : memref<5120xi32, #tpu.memory_space<hbm>> -> memref<160xi32, #tpu.memory_space<hbm>>
      tpu.wait_dma2 semaphore(%run_scoped3A : memref<!tpu.dma_semaphore, #tpu.memory_space<semaphore_mem>>) src(%arg5 : memref<160xi32, #tpu.memory_space<vmem>>) dst(%dma_wait3A_324 : memref<160xi32, #tpu.memory_space<hbm>>)
      tpu.yield
    }) : () -> ()
    return
  }
}

</mosaic_0001>

<sc_bundles>
// kernel: _sc_indices.3.cloned.1.call-start
scs
__scs_entry_jumppad:
0x0: {  	(pc) =	sbr.rel $0x88, $3  }
0x1: {  	(tag) =	ssettag $0x0;
	lr =	simm.s32 $0x1  }
0x2: {  	[smem:$0x3FA0] =	sst lr;
	_ =	strace $0xD0000000  }
0x3: {  	_ = 	snop  }
0x4: {  	_ = 	snop  }
0x5: {  	_ = 	snop  }
0x6: {  	_ = 	snop  }
0x7: {  	_ = 	snop  }
__scs_overlays_trampoline_lowered:
0x8: {  	[smem:$0x3FAF] =	sst s0  }
0x9: {  	[smem:$0x3FB0] =	sst s1  }
0xa: {  	[smem:$0x3FB1] =	sst s2  }
0xb: {  	[smem:$0x3FB2] =	sst s3  }
0xc: {  	[smem:$0x3FB3] =	sst s4  }
0xd: {  	[smem:$0x3FB4] =	sst s5  }
0xe: {  	[smem:$0x3FB5] =	sst s6  }
0xf: {  	[smem:$0x3FB6] =	sst s7  }
0x10: {  	[smem:$0x3FB7] =	sst s8  }
0x11: {  	[smem:$0x3FB8] =	sst s9;
	s0 =	simm.s32 @!p0 $0x0  }
0x12: {  	s1 =	sld [smem:$0x3F9E];
	s0 =	simm.s32 @p0 $0x1  }
0x13: {  	[smem:$0x3FB9] =	sst s0;
	s0 =	simm.s32 @!p1 $0x0  }
0x14: {  	s2 =	sld [smem:$0x3F9D];
	s0 =	simm.s32 @p1 $0x1  }
0x15: {  	[smem:$0x3FBA] =	sst s0;
	s0 =	simm.s32 @!p2 $0x0  }
0x16: {  	s3 =	sld [smem:$0x3FDB];
	s0 =	simm.s32 @p2 $0x1  }
0x17: {  	s4 =	simm.s32 $0x1BF5;
	[smem:$0x3FBC] =	sst s0  }
0x18: {  	s0 =	sld [smem:$0x3F9F];
	_ =	swait.ge [sflag:s4], $0x0  }
0x19: {  	s7 =	sld [smem:$0x3FA0]  }
0x1a: {  	s8 =	sadd.s32 $0xFFFFE003, lr  }
0x1b: {  	s9 =	sadd.s32 $0xFFFFFEF7, lr;
	s5 =	simm.s32 $0xFFFFFFFF;
	p2 =	slt.u32 s8, $0xFFFFF086  }
0x1c: {  	p1 =	slt.u32 s9, $0xF7A;
	s5 =	simm.s32 @!p2 $0x0  }
0x1d: {  	s5 =	simm.s32 @p1 $0x1;
	p0 =	seq.s32 s7, s2  }
0x1e: {  	s7 =	smul.u32 @!p0 $0xF7A, s2;
	p2 =	seq.s32 @!p0 s5, $0x0  }
0x1f: {  	s9 =	smul.u32 $0xF7A, s1;
	s8 =	simm.s32 @!p0 $0x1BF5;
	p2 =	por !p2, p0  }
0x20: {  	[sflag:s8] =	ssyncset.s32 @!p0 $0xFFFFF086;
	s6 =	sadd.s32 @!p0 s3, s7;
	s7 =	simm.s32 @!p0 $0x108  }
0x21: {  	s3 =	sadd.s32 s3, s9;
	s6 =	sadd.s32 @!p0 $0x88, s6;
	s7 =	simm.s32 @p2 $0x1082  }
0x22: {  	[simem:s7], [sflag:s8] =	dma.local @!p0 [hbm:s6], $0xF7A  }
0x23: {  	s9 =	sor.u32 $0xD0000000, s2;
	s6 =	simm.s32 $0x108;
	_ =	swait.ge @!p0 [sflag:s8], $0x0  }
0x24: {  	s3 =	sadd.s32 $0x88, s3;
	s6 =	simm.s32 @!p1 $0x1082;
	[sflag:s4] =	ssyncset.s32 $0xFFFFF086  }
0x25: {  	[simem:s6], [sflag:s4] =	dma.local [hbm:s3], $0xF7A  }
0x26: {  	[smem:$0x3FA0] =	sst s1;
	(tag) =	ssettag s2;
	_ =	strace s9  }
0x27: {  	s1 =	sld [smem:$0x3FB0]  }
0x28: {  	s2 =	sld [smem:$0x3FB1]  }
0x29: {  	s4 =	sld [smem:$0x3FB3]  }
0x2a: {  	p0 =	seq.s32 s5, $0x0;
	s5 =	sld [smem:$0x3FB4]  }
0x2b: {  	s6 =	sld [smem:$0x3FB5]  }
0x2c: {  	s7 =	sld [smem:$0x3FB6]  }
0x2d: {  	s3 =	simm.s32 $0x108;
	s8 =	sld [smem:$0x3FB7]  }
0x2e: {  	s3 =	simm.s32 @!p0 $0x1082;
	s9 =	sld [smem:$0x3FB8]  }
0x2f: {  	lr =	sadd.s32 s0, s3;
	s0 =	sld [smem:$0x3FAF]  }
0x30: {  	s3 =	sld [smem:$0x3FB2]  }
0x31: {  	[smem:$0x3FBB] =	sst s10  }
0x32: {  	s10 =	sld [smem:$0x3FB9];
	_ =	sdelay $0x3  }
0x33: {  	p0 =	seq.s32 s10, $0x1;
	s10 =	sld [smem:$0x3FBB];
	_ =	sdelay $0x3  }
0x34: {  	[smem:$0x3FBB] =	sst s10  }
0x35: {  	s10 =	sld [smem:$0x3FBA];
	_ =	sdelay $0x3  }
0x36: {  	p1 =	seq.s32 s10, $0x1;
	s10 =	sld [smem:$0x3FBB];
	_ =	sdelay $0x3  }
0x37: {  	[smem:$0x3FBB] =	sst s10  }
0x38: {  	s10 =	sld [smem:$0x3FBC]  }
0x39: {  	_ = 	snop;
	(pc) =	sbr.ind lr, $3  }
0x3a: {  	_ = 	snop  }
0x3b: {  	_ = 	snop  }
0x3c: {  	p2 =	seq.s32 s10, $0x1;
	s10 =	sld [smem:$0x3FBB]  }
0x3d: {  	_ =	shalt  }
0x3e: {  	_ =	shalt  }
0x3f: {  	_ =	shalt  }
0x40: {  	_ =	shalt  }
0x41: {  	_ =	shalt  }
0x42: {  	_ =	shalt  }
0x43: {  	_ =	shalt  }
0x44: {  	_ =	shalt  }
0x45: {  	_ =	shalt  }
0x46: {  	_ =	shalt  }
0x47: {  	_ =	shalt  }
0x48: {  	_ =	shalt  }
0x49: {  	_ =	shalt  }
0x4a: {  	_ =	shalt  }
0x4b: {  	_ =	shalt  }
0x4c: {  	_ =	shalt  }
0x4d: {  	_ =	shalt  }
0x4e: {  	_ =	shalt  }
0x4f: {  	_ =	shalt  }
0x50: {  	_ =	shalt  }
0x51: {  	_ =	shalt  }
0x52: {  	_ =	shalt  }
0x53: {  	_ =	shalt  }
0x54: {  	_ =	shalt  }
0x55: {  	_ =	shalt  }
0x56: {  	_ =	shalt  }
0x57: {  	_ =	shalt  }
0x58: {  	_ =	shalt  }
0x59: {  	_ =	shalt  }
0x5a: {  	_ =	shalt  }
0x5b: {  	_ =	shalt  }
0x5c: {  	_ =	shalt  }
0x5d: {  	_ =	shalt  }
0x5e: {  	_ =	shalt  }
0x5f: {  	_ =	shalt  }
0x60: {  	_ =	shalt  }
0x61: {  	_ =	shalt  }
0x62: {  	_ =	shalt  }
0x63: {  	_ =	shalt  }
0x64: {  	_ =	shalt  }
0x65: {  	_ =	shalt  }
0x66: {  	_ =	shalt  }
0x67: {  	_ =	shalt  }
0x68: {  	_ =	shalt  }
0x69: {  	_ =	shalt  }
0x6a: {  	_ =	shalt  }
0x6b: {  	_ =	shalt  }
0x6c: {  	_ =	shalt  }
0x6d: {  	_ =	shalt  }
0x6e: {  	_ =	shalt  }
0x6f: {  	_ =	shalt  }
0x70: {  	_ =	shalt  }
0x71: {  	_ =	shalt  }
0x72: {  	_ =	shalt  }
0x73: {  	_ =	shalt  }
0x74: {  	_ =	shalt  }
0x75: {  	_ =	shalt  }
0x76: {  	_ =	shalt  }
0x77: {  	_ =	shalt  }
0x78: {  	_ =	shalt  }
0x79: {  	_ =	shalt  }
0x7a: {  	_ =	shalt  }
0x7b: {  	_ =	shalt  }
0x7c: {  	_ =	shalt  }
0x7d: {  	_ =	shalt  }
0x7e: {  	_ =	shalt  }
0x7f: {  	_ =	shalt  }
0x80: {  	_ =	shalt  }
0x81: {  	_ =	shalt  }
0x82: {  	_ =	shalt  }
0x83: {  	_ =	shalt  }
0x84: {  	_ =	shalt  }
0x85: {  	_ =	shalt  }
0x86: {  	_ =	shalt  }
0x87: {  	_ =	shalt  }
.Lfunc_end0:
.L_simem_size_0:
called_computation_lowered:
.L_overlay_start_0:
0x88: {  	s2 =	sld [smem:$0x3FD9]  }
0x89: {  	s3 =	sld [smem:$0x3FFE];
	_ =	sdelay $0x1  }
0x8a: {  	s1 =	srdreg.scid  }
0x8b: {  	s0 =	sand.u32 $0x1, s1  }
0x8c: {  	s18 =	sshll.u32 s0, $0xA;
	s2 =	sadd.s32 s3, s2  }
0x8d: {  	s2 =	sadd.s32 s2, s18  }
0x8e: {  	[smem:$0x3FC7] =	sst s2  }
0x8f: {  	_ = 	snop  }
0x90: {  	s2 =	sld [smem:$0x3FC9]  }
0x91: {  	s19 =	sld [smem:$0x3FD0];
	(tm) =	ssettm $0x1  }
0x92: {  	s4 =	sld [smem:$0x3FFB];
	_ =	sdelay $0x3  }
0x93: {  	_ =	strace s4  }
0x94: {  	s4 =	sld [smem:$0x3FFC];
	_ =	sdelay $0x3  }
0x95: {  	_ =	strace s4  }
0x96: {  	s4 =	sld [smem:$0x3FFD];
	_ =	sdelay $0x3  }
0x97: {  	_ =	strace s4  }
0x98: {  	_ =	strace $0x8FFFFFFF  }
0x99: {  	s20 =	sld [smem:$0x3FDB];
	_ =	sdelay $0x1  }
0x9a: {  	s5 =	simm.s32 $_scs_section_size  }
0x9b: {  	s6 =	simm.s32 $_size__tile_overlayer_lowered;
	s7 =	simm.s32 $_tile_overlayer_lowered  }
0x9c: {  	s23 =	simm.s32 $0x1BFF;
	s22 =	sshll.u32 s7, $0x1;
	s4 =	sadd.s32 s5, s20  }
0x9d: {  	s8 =	simm.s32 $0x0;
	s21 =	sshll.u32 s6, $0x1;
	s6 =	sadd.s32 s22, s4  }
0x9e: {  	[timem:s8], [sflag:s23] =	dma.local [hbm:s6], s21  }
0x9f: {  	_ =	swait.ge [sflag:s23], s21  }
0xa0: {  	s5 =	ssub.s32 $0x0, s21;
	[sflag:s23] =	ssyncset.done $0x0  }
0xa1: {  	[sflag:s23] =	ssyncadd.s32 s5;
	_ =	sdelay $0x1  }
0xa2: {  	s24 =	simm.s32 $0x1B8B  }
0xa3: {  	_ =	swait.ge [sflag:s24], $0x1  }
0xa4: {  	[sflag:s24] =	ssyncset.done $0x0  }
0xa5: {  	s25 =	simm.s32 $0x1B8E;
	[sflag:s24] =	ssyncadd.s32 $0xFFFFFFFF  }
0xa6: {  	s26 =	simm.s32 $execute0_lowered;
	[smem:$0x3FD2] =	sst s25  }
0xa7: {  	s5 =	sshll.u32 s26, $0x1;
	_ =	strace $0x80000046;
	[dreg:$0x1] =	wrdreg $0xFFFFFFFF  }
0xa8: {  	s28 =	simm.s32 $_size_execute0_lowered;
	s4 =	sadd.s32 s4, s5;
	[dreg:$0x0] =	wrdreg $0x0  }
0xa9: {  	s5 =	sshll.u32 s28, $0x1;
	[dreg:$0x2] =	wrdreg s4  }
0xaa: {  	[dreg:$0x3] =	wrdreg s5  }
0xab: {  	[dreg:$0x4] =	wrdreg $0xC0  }
0xac: {  	_ =	task [dreg:s8], $0x5FFFF  }
0xad: {  	[dreg:$0x1] =	wrdreg $0xFFFFFFFF  }
0xae: {  	[dreg:$0x0] =	wrdreg $0x60  }
0xaf: {  	[dreg:$0x2] =	wrdreg s2  }
0xb0: {  	[dreg:$0x3] =	wrdreg s19  }
0xb1: {  	[dreg:$0x4] =	wrdreg $0x9  }
0xb2: {  	_ =	task.clear_ibuf [dreg:s8], $0x5FFFF;
	_ =	strace $0x90000046  }
0xb3: {  	s29 =	simm.s32 $0x9;
	_ =	strace $0x80000048  }
0xb4: {  	_ =	swait.ge [sflag:s29], $0x1  }
0xb5: {  	[sflag:s29] =	ssyncadd.s32 $0xFFFFFFFF  }
0xb6: {  	_ =	strace $0x90000048  }
0xb7: {  	_ =	sfence  }
0xb8: {  	s30 =	sld [smem:$0x0];
	_ =	sdelay $0x2  }
0xb9: {  	s31 =	sshll.u32 s1, $0xD;
	s1 =	sshrl.u32 s1, $0x2  }
0xba: {  	s3 =	sand.u32 $0x4000, s31;
	s1 =	sadd.s32 s1, s30  }
0xbb: {  	s0 =	sor.u32 s3, s0;
	s1 =	sshll.u32 s1, $0x11  }
0xbc: {  	s0 =	sor.u32 s1, s0  }
0xbd: {  	s0 =	sadd.s32 $0x8F2B, s0  }
0xbe: {  	[sflag:s0] =	ssyncadd.remote.s32 $0x1  }
0xbf: {  	_ =	sfence.sel $0xFFFF  }
0xc0: {  	[dreg:$0x0] =	wrdreg $0xFFFFFFFF;
	(pc) =	sbr.abs _section_cstart, $3  }
0xc1: {  	[dreg:$0x1] =	wrdreg $0xFFFFFFFF  }
0xc2: {  	_ =	task.clear_ibuf [dreg:s8], $0x2FFFF;
	_ =	strace $0x9FFFFFFF  }
0xc3: {  	(tm) =	ssettm $0x7FFFFFFF  }
tec
execute0_lowered:
.L_overlay_start_1:
0x0: {  	(tag) =	ssettag $0x1  }
0x1: {  	s1 =	srdreg.scid;
	s0 =	stileid.u32  }
0x2: {  	s3 =	rddreg [dreg:$0x0];
	s2 =	sand.u32 $0x1, s1;
	s31 =	sshll.u32 s0, $0x1  }
0x3: {  	s4 =	rddreg [dreg:$0x1];
	s5 =	sor.u32 s2, s31  }
0x4: {  	s1 =	rddreg [dreg:$0x2];
	s6 =	ssub.s32 $0x2, s2;
	s7 =	smul.u32 $0x78, s5  }
0x5: {  	s2 =	simm.s32 $0x0;
	s8 =	sshrl.u32 s6, $0x1;
	s5 =	smul.u32 $0x14, s5  }
0x6: {  	[smem:$0x7FF] =	sst s2;
	s6 =	ssub.s32 s6, s8  }
0x7: {  	_ =	strace $0x80000047;
	s3 =	sadd.s32 s3, s7;
	s4 =	sadd.s32 s4, s5  }
0x8: {  	s5 =	smax.u32 s6, $0x1;
	s6 =	simm.s32 $0x1;
	s7 =	simm.s32 $0x400  }
.LBB2_1:
0x9: {  	[tilespmem:s2], [sflag:$0x1] =	stream.linear.gather [hbm4b:s3+s2], $0x3C0, $0x38;
	[tilespmem:$0x500] =	vst v63  }
0xa: {  	_ =	swait.ge [sflag:s6], $0x3C0  }
0xb: {  	[sflag:s6] =	ssyncset.done $0x0  }
0xc: {  	[sflag:s6] =	ssyncadd.s32 $0xFFFFFC40  }
0xd: {  	v0 =	vld [tilespmem:$0x0]  }
0xe: {  	v1 =	vld [tilespmem:$0xA0]  }
0xf: {  	v2 =	vld [tilespmem:$0x140]  }
0x10: {  	v3 =	vld [tilespmem:$0x1E0]  }
0x11: {  	v4 =	vld [tilespmem:$0x280]  }
0x12: {  	v5 =	vld [tilespmem:$0x320]  }
0x13: {  	v6 =	vld [tilespmem:$0x10]  }
0x14: {  	v7 =	vld [tilespmem:$0xB0]  }
0x15: {  	v8 =	vld [tilespmem:$0x150]  }
0x16: {  	v9 =	vld [tilespmem:$0x1F0]  }
0x17: {  	v10 =	vld [tilespmem:$0x290]  }
0x18: {  	v11 =	vld [tilespmem:$0x330]  }
0x19: {  	v12 =	vld [tilespmem:$0x20]  }
0x1a: {  	v13 =	vld [tilespmem:$0xC0]  }
0x1b: {  	v14 =	vld [tilespmem:$0x160]  }
0x1c: {  	v15 =	vld [tilespmem:$0x200]  }
0x1d: {  	v16 =	vld [tilespmem:$0x2A0]  }
0x1e: {  	v59 =	vld [tilespmem:$0x340]  }
0x1f: {  	v17 =	vld [tilespmem:$0x30]  }
0x20: {  	v18 =	vld [tilespmem:$0xD0]  }
0x21: {  	v60 =	vld [tilespmem:$0x170];
	(erf) = vrcp.f32 v2  }
0x22: {  	v19 =	vld [tilespmem:$0x210];
	(erf) = vrcp.f32 v3  }
0x23: {  	v61 =	vld [tilespmem:$0x2B0];
	(erf) = vrcp.f32 v8  }
0x24: {  	v20 =	vld [tilespmem:$0x350];
	(erf) = vrcp.f32 v9  }
0x25: {  	v62 =	vld [tilespmem:$0x40];
	(erf) = vrcp.f32 v14  }
0x26: {  	v63 =	vld [tilespmem:$0xE0]  }
0x27: {  	v22 =	vld [tilespmem:$0x180];
	(erf) = vrcp.f32 v15  }
0x28: {  	v28 =	vld [tilespmem:$0x220]  }
0x29: {  	v29 =	vld [tilespmem:$0x2C0];
	(erf) = vrcp.f32 v60  }
0x2a: {  	v31 =	vld [tilespmem:$0x360];
	v21 =	vpop (erf)  }
0x2b: {  	v34 =	vld [tilespmem:$0x190];
	v0 =	vmul.f32 v21, v0;
	v30 =	vpop (erf)  }
0x2c: {  	v32 =	vld [tilespmem:$0x50];
	(erf) = vrcp.f32 v19;
	v1 =	vmul.f32 v30, v1;
	v23 =	vpop (erf)  }
0x2d: {  	v36 =	vld [tilespmem:$0x230];
	v0 =	vadd.f32 v4, v0;
	v33 =	vmul.f32 v23, v6;
	v35 =	vpop (erf);
	(erf) = vrcp.f32 v22  }
0x2e: {  	v24 =	vld [tilespmem:$0xF0];
	v1 =	vadd.f32 v5, v1;
	v7 =	vmul.f32 v35, v7;
	v37 =	vpop (erf);
	(erf) = vrcp.f32 v28  }
0x2f: {  	v44 =	vld [tilespmem:$0x1A0];
	v0 =	vtrunc.f32 v0;
	v5 =	vadd.f32 v10, v33;
	v10 =	vmul.f32 v37, v12  }
0x30: {  	v45 =	vld [tilespmem:$0x240];
	v41 =	vpop (erf);
	(erf) = vrcp.f32 v34;
	v0 =	vcvt.f32.s32 v0  }
0x31: {  	v38 =	vld [tilespmem:$0x2D0];
	v1 =	vtrunc.f32 v1;
	v7 =	vadd.f32 v11, v7;
	v11 =	vmul.f32 v41, v13  }
0x32: {  	v39 =	vld [tilespmem:$0x370];
	v43 =	vpop (erf);
	(erf) = vrcp.f32 v36;
	v1 =	vcvt.f32.s32 v1  }
0x33: {  	v40 =	vld [tilespmem:$0x60];
	v5 =	vtrunc.f32 v5;
	v13 =	vmul.f32 v43, v17  }
0x34: {  	v42 =	vld [tilespmem:$0x100];
	v10 =	vadd.f32 v16, v10;
	(erf) = vrcp.f32 v44;
	v5 =	vcvt.f32.s32 v5  }
0x35: {  	v46 =	vld [tilespmem:$0x1B0];
	v47 =	vpop (erf);
	v7 =	vtrunc.f32 v7;
	(erf) = vrcp.f32 v45  }
0x36: {  	v48 =	vld [tilespmem:$0x250];
	v2 =	vadd.f32 v59, v11;
	v10 =	vtrunc.f32 v10;
	v7 =	vcvt.f32.s32 v7  }
0x37: {  	v49 =	vld [tilespmem:$0x1C0];
	v8 =	vadd.f32 v61, v13;
	v1 =	vshll.u32 v1, $0x6;
	v13 =	vmul.f32 v47, v18  }
0x38: {  	v51 =	vld [tilespmem:$0x260];
	v10 =	vcvt.f32.s32 v10;
	v2 =	vtrunc.f32 v2;
	v0 =	vadd.s32 v0, v1  }
0x39: {  	v54 =	vld [tilespmem:$0x1D0];
	v50 =	vcvt.f32.s32 v2;
	v52 =	vtrunc.f32 v8;
	v53 =	vadd.f32 v20, v13  }
0x3a: {  	v56 =	vld [tilespmem:$0x270];
	v7 =	vshll.u32 v7, $0x6;
	v6 =	vcvt.f32.s32 v52;
	v55 =	vpop (erf);
	(erf) = vrcp.f32 v46  }
0x3b: {  	v25 =	vld [tilespmem:$0x110];
	v5 =	vadd.s32 v5, v7;
	v57 =	vtrunc.f32 v53;
	(erf) = vrcp.f32 v48  }
0x3c: {  	v26 =	vld [tilespmem:$0x2F0];
	v58 =	vpop (erf);
	v1 =	vshll.u32 v50, $0x6;
	v9 =	vmul.f32 v55, v62;
	(erf) = vrcp.f32 v49  }
0x3d: {  	v27 =	vld [tilespmem:$0x390];
	v60 =	vpop (erf);
	v1 =	vadd.s32 v10, v1;
	v8 =	vmul.f32 v58, v63;
	v7 =	vcvt.f32.s32 v57  }
0x3e: {  	v59 =	vld [tilespmem:$0x2E0];
	v62 =	vpop (erf);
	(erf) = vrcp.f32 v51;
	v23 =	vadd.f32 v29, v9;
	v4 =	vmul.f32 v60, v32  }
0x3f: {  	v61 =	vld [tilespmem:$0x380];
	v24 =	vmul.f32 v62, v24;
	(erf) = vrcp.f32 v54;
	v3 =	vadd.f32 v31, v8  }
0x40: {  	v34 =	vld [tilespmem:$0x90];
	v28 =	vpop (erf);
	v7 =	vshll.u32 v7, $0x6;
	(erf) = vrcp.f32 v56;
	v2 =	vtrunc.f32 v23  }
0x41: {  	v63 =	vld [tilespmem:$0x70];
	v4 =	vadd.f32 v38, v4;
	v30 =	vpop (erf);
	v12 =	vmul.f32 v28, v40;
	v2 =	vcvt.f32.s32 v2  }
0x42: {  	v36 =	vld [tilespmem:$0x130];
	v9 =	vadd.f32 v39, v24;
	v3 =	vtrunc.f32 v3;
	v39 =	vmul.f32 v30, v42  }
0x43: {  	v29 =	vld [tilespmem:$0x80];
	v6 =	vadd.s32 v6, v7;
	v3 =	vcvt.f32.s32 v3;
	v4 =	vtrunc.f32 v4  }
0x44: {  	v31 =	vld [tilespmem:$0x120];
	v42 =	vadd.f32 v59, v12;
	v9 =	vtrunc.f32 v9;
	v7 =	vadd.f32 v61, v39  }
0x45: {  	v40 =	vld [tilespmem:$0x300];
	v4 =	vcvt.f32.s32 v4;
	v32 =	vpop (erf);
	v33 =	vcvt.f32.s32 v9;
	v3 =	vshll.u32 v3, $0x6  }
0x46: {  	v44 =	vld [tilespmem:$0x3A0];
	v35 =	vpop (erf);
	v2 =	vadd.s32 v2, v3;
	v43 =	vmul.f32 v32, v63;
	v7 =	vtrunc.f32 v7  }
0x47: {  	v46 =	vld [tilespmem:$0x310];
	v37 =	vpop (erf);
	v38 =	vshll.u32 v33, $0x6;
	v10 =	vmul.f32 v35, v25;
	v7 =	vcvt.f32.s32 v7  }
0x48: {  	v48 =	vld [tilespmem:$0x3B0];
	v41 =	vpop (erf);
	v3 =	vadd.s32 v4, v38;
	v13 =	vmul.f32 v37, v29;
	v8 =	vadd.f32 v26, v43  }
0x49: {  	v4 =	vtrunc.f32 v42;
	v45 =	vpop (erf);
	v47 =	vmul.f32 v41, v31;
	v10 =	vadd.f32 v27, v10  }
0x4a: {  	v4 =	vcvt.f32.s32 v4;
	v9 =	vmul.f32 v45, v34;
	v49 =	vpop (erf);
	v13 =	vadd.f32 v40, v13  }
0x4b: {  	[tilespmem:$0x400] =	vst v0;
	v8 =	vtrunc.f32 v8;
	v50 =	vmul.f32 v49, v36;
	v51 =	vadd.f32 v44, v47  }
0x4c: {  	[tilespmem:$0x410] =	vst v5;
	v8 =	vcvt.f32.s32 v8;
	v53 =	vtrunc.f32 v10;
	v52 =	vadd.f32 v46, v9  }
0x4d: {  	[tilespmem:$0x420] =	vst v1;
	v9 =	vcvt.f32.s32 v53;
	v55 =	vtrunc.f32 v13;
	v54 =	vadd.f32 v48, v50  }
0x4e: {  	[tilespmem:$0x430] =	vst v6;
	v56 =	vshll.u32 v7, $0x6;
	v57 =	vcvt.f32.s32 v55;
	v0 =	vtrunc.f32 v51  }
0x4f: {  	[tilespmem:$0x440] =	vst v2;
	v58 =	vadd.s32 v4, v56;
	v0 =	vcvt.f32.s32 v0;
	v1 =	vtrunc.f32 v54  }
0x50: {  	[tilespmem:$0x450] =	vst v3;
	v59 =	vshll.u32 v9, $0x6;
	v60 =	vtrunc.f32 v52;
	v1 =	vcvt.f32.s32 v1  }
0x51: {  	[tilespmem:$0x460] =	vst v58;
	v61 =	vadd.s32 v8, v59;
	v62 =	vcvt.f32.s32 v60;
	v0 =	vshll.u32 v0, $0x6  }
0x52: {  	[tilespmem:$0x470] =	vst v61;
	v0 =	vadd.s32 v57, v0;
	v1 =	vshll.u32 v1, $0x6  }
0x53: {  	p0 =	sne.s32 s5, $0x1;
	[tilespmem:$0x480] =	vst v0;
	v63 =	vadd.s32 v62, v1  }
.Ltmp0:
0x54: {  	[tilespmem:$0x490] =	vst v63;
	(pc) =	sbr.rel @p0 .LBB2_1-.Ltmp0, $4  }
0x55: {  	[hbm4b:s4+s2] =	stream.linear.scatter [tilespmem:s7], [sflag:$0x1], $0xA0, $0x38;
	[tilespmem:$0x500] =	vst v63  }
0x56: {  	_ =	swait.ge [sflag:s6], $0xA0  }
0x57: {  	[sflag:s6] =	ssyncset.done $0x0  }
0x58: {  	s5 =	sadd.s32 $0xFFFFFFFF, s5;
	[sflag:s6] =	ssyncadd.s32 $0xFFFFFF60  }
0x59: {  	_ =	sfence.sel $0x180000  }
0x5a: {  	[bflag:$0x0] =	sbarrier.arrive $0xFFFF  }
0x5b: {  	p0 =	sne.s32 s0, $0x0;
	_ =	strace $0x90000047  }
0x5c: {  	s0 =	sadd.s32 @!p0 $0x100000, s1;
	[bflag:$0x2] =	sbarrier.arrive $0xFFFF  }
0x5d: {  	[sflag:s0] =	ssyncadd.tile.s32 @!p0 $0x1;
	_ =	shalt  }
.Lfunc_end2:
_tile_overlayer_lowered:
.L_overlay_start_2:
0x5e: {  	(tag) =	ssettag $0x2  }
0x5f: {  	s0 =	rddreg [dreg:$0x0];
	s2 =	stileid.u32  }
0x60: {  	s1 =	rddreg [dreg:$0x1];
	p0 =	sne.s32 s2, $0x0  }
0x61: {  	s3 =	rddreg [dreg:$0x2];
	[bflag:$0x3] =	sbarrier.arrive $0xFFFF;
	s2 =	simm.s32 @!p0 $0x1C01  }
0x62: {  	[timem:s3], [sflag:s2] =	dma.local @!p0 [hbm:s0], s1  }
0x63: {  	s0 =	simm.s32 @!p0 $0x1  }
0x64: {  	_ =	swait.ge @!p0 [sflag:s0], s1  }
0x65: {  	s1 =	ssub.s32 @!p0 $0x0, s1;
	[sflag:s0] =	ssyncset.done @!p0 $0x0  }
0x66: {  	[sflag:s0] =	ssyncadd.s32 @!p0 s1  }
0x67: {  	[bflag:$0x3] =	sbarrier.arrive $0xFFFF  }
0x68: {  	_ =	shalt  }

</sc_bundles>
